<compile_context>
chip_gen: v7x
topology: tpu7x:2x2x1
jax: 0.10.2.dev20260603
libtpu: 0.0.44.dev20260713+nightly
codegen_flags: <defaults>
</compile_context>

<pallas_src>
import jax
import jax.numpy as jnp
from jax import lax
from jax.experimental import pallas as pl
from jax.experimental.pallas import tpu as pltpu
from jax.experimental.pallas import tpu_sc as plsc

_SHIFT_FACTOR = 2
_B, _C, _T = 32, 128, 16384
_L = 16
_NCHUNK = _T // _L
_NIN = 2
_NOUT = 4


def _make_body(nc):
  def _body(x_hbm, sh_hbm, out_hbm, svec, xb0, xb1, ob0, ob1, ob2, ob3,
            sin0, sin1, sout0, sout1, sout2, sout3):
    wid = lax.axis_index("s") * nc + lax.axis_index("c")
    xbufs, obufs = (xb0, xb1), (ob0, ob1, ob2, ob3)
    sins, souts = (sin0, sin1), (sout0, sout1, sout2, sout3)

    pltpu.sync_copy(sh_hbm.at[wid], svec)
    s = svec[...][0]

    def shift_idx(t):
        pos = jnp.where(t >= s, t - s, t)
        neg = jnp.minimum(t - s, _T - 1)
        return jnp.where(s > 0, pos, jnp.where(s < 0, neg, t))

    t0 = lax.iota(jnp.int32, 16)
    idx_head = shift_idx(t0)
    idx_tail = shift_idx(t0 + (_T - _L))

    def compute(xrow, orow):
        orow[pl.ds(0, _L)] = plsc.load_gather(xrow, [idx_head])
        orow[pl.ds(_T - _L, _L)] = plsc.load_gather(xrow, [idx_tail])

        @plsc.parallel_loop(1, _NCHUNK - 1, unroll=8)
        def _(i):
            orow[pl.ds(i * _L, _L)] = xrow[pl.ds(i * _L - s, _L)]

    pltpu.make_async_copy(x_hbm.at[wid, 0], xbufs[0], sins[0]).start()

    _STEP = 4
    @pl.loop(0, _C, step=_STEP)
    def _(c):
        for b in range(_STEP):
            r = c + b
            bi, bo = b % _NIN, b

            @pl.when(r + 1 < _C)
            def _():
                pltpu.make_async_copy(
                    x_hbm.at[wid, r + 1], xbufs[1 - bi], sins[1 - bi]
                ).start()

            pltpu.make_async_copy(x_hbm.at[wid, r], xbufs[bi], sins[bi]).wait()

            compute(xbufs[bi], obufs[bo])

            pltpu.sync_copy(obufs[bo], out_hbm.at[wid, r])

  return _body


def kernel(x):
    B, C, T = x.shape
    skey = jax.random.key(42)
    shifts = jax.random.randint(skey, (B,), -_SHIFT_FACTOR, _SHIFT_FACTOR + 1)
    shifts16 = jnp.broadcast_to(
        shifts.astype(jnp.int32)[:, None], (B, _L)
    )

    mesh = plsc.VectorSubcoreMesh(
        core_axis_name="c", subcore_axis_name="s", num_cores=2, num_subcores=16
    )
    run = pl.kernel(
        _make_body(mesh.num_cores),
        out_type=jax.ShapeDtypeStruct((B, C, T), jnp.float32),
        mesh=mesh,
        scratch_types=[
            pltpu.VMEM((_L,), jnp.int32),
            pltpu.VMEM((_T,), jnp.float32),
            pltpu.VMEM((_T,), jnp.float32),
            pltpu.VMEM((_T,), jnp.float32),
            pltpu.VMEM((_T,), jnp.float32),
            pltpu.VMEM((_T,), jnp.float32),
            pltpu.VMEM((_T,), jnp.float32),
            pltpu.SemaphoreType.DMA,
            pltpu.SemaphoreType.DMA,
            pltpu.SemaphoreType.DMA,
            pltpu.SemaphoreType.DMA,
            pltpu.SemaphoreType.DMA,
            pltpu.SemaphoreType.DMA,
        ],
        compiler_params=pltpu.CompilerParams(needs_layout_passes=False),
    )
    return run(x, shifts16)

# --- scband reference (transcript-rebuilt; emitter-appended) ---
"""Pipeline reference for scband-phase-shuffle-2199023256123 (READ-ONLY COPY).

The authoritative reference and input builder live on the scoring server;
editing this copy changes nothing except your own understanding.
"""

import jax, jax.numpy as jnp
import numpy as np

SHIFT_FACTOR = 2


def _shift_indices(shifts, T):
    # Per-batch gather indices reproducing the torch loop semantics:
    #   shift > 0: out[:, shift:] = x[:, :-shift]; out[:, :shift] = x[:, :shift]
    #   shift < 0: out[:, :shift] = x[:, -shift:]; out[:, shift:] = x[:, -1] (repeated)
    #   shift == 0: identity
    t = jnp.arange(T)[None, :]
    s = shifts[:, None]
    pos = jnp.where(t >= s, t - s, t)          # shift > 0 case
    neg = jnp.minimum(t - s, T - 1)            # shift < 0 case (t + |s|, clamped to last sample)
    idx = jnp.where(s > 0, pos, jnp.where(s < 0, neg, t))
    return idx


def setup_inputs(seed: int = 0) -> dict:
    key = jax.random.key(seed)
    x = jax.random.normal(key, (32, 128, 16384), dtype=jnp.float32)
    return {"x": x}


def reference(x):
    B, C, T = x.shape
    # torch module draws shifts with torch.randint inside forward; we use a fixed
    # jax key for a deterministic reference.
    skey = jax.random.key(42)
    shifts = jax.random.randint(skey, (B,), -SHIFT_FACTOR, SHIFT_FACTOR + 1)
    idx = _shift_indices(shifts, T)
    # gather along the time axis, broadcast over channels
    return jnp.take_along_axis(x, idx[:, None, :], axis=2)

if __name__ == "__main__":
    import jax
    _d = setup_inputs()
    print(jax.jit(kernel)(*tuple(_d.values())))

</pallas_src>

<mosaic_0001>
#map = affine_map<(d0, d1) -> (0, 0, 0)>
#map1 = affine_map<(d0, d1) -> (0, 0)>
module attributes {stable_mosaic.version = 14 : i64} {
  func.func @_body(%arg0: i32, %arg1: i32, %arg2: memref<32x128x16384xf32, #tpu.memory_space<hbm>>, %arg3: memref<32x16xi32, #tpu.memory_space<hbm>>, %arg4: memref<32x128x16384xf32, #tpu.memory_space<hbm>>, %arg5: memref<16xi32, #tpu.memory_space<vmem>>, %arg6: memref<16384xf32, #tpu.memory_space<vmem>>, %arg7: memref<16384xf32, #tpu.memory_space<vmem>>, %arg8: memref<16384xf32, #tpu.memory_space<vmem>>, %arg9: memref<16384xf32, #tpu.memory_space<vmem>>, %arg10: memref<16384xf32, #tpu.memory_space<vmem>>, %arg11: memref<16384xf32, #tpu.memory_space<vmem>>, %arg12: memref<!tpu.dma_semaphore, #tpu.memory_space<semaphore_mem>>, %arg13: memref<!tpu.dma_semaphore, #tpu.memory_space<semaphore_mem>>, %arg14: memref<!tpu.dma_semaphore, #tpu.memory_space<semaphore_mem>>, %arg15: memref<!tpu.dma_semaphore, #tpu.memory_space<semaphore_mem>>, %arg16: memref<!tpu.dma_semaphore, #tpu.memory_space<semaphore_mem>>, %arg17: memref<!tpu.dma_semaphore, #tpu.memory_space<semaphore_mem>>) attributes {dimension_semantics = [#tpu.dimension_semantics<core_parallel>, #tpu.dimension_semantics<subcore_parallel>], iteration_bounds = array<i64: 2, 16>, scalar_prefetch = 0 : i64, scratch_operands = 13 : i64, tpu.core_type = #tpu.core_type<sc_vector_subcore>, window_params = [{transform_indices = #map}, {transform_indices = #map1}, {transform_indices = #map}]} {
    %mul3A = arith.constant 2 : i32
    %mul3A_0 = arith.muli %arg1, %mul3A : i32
    %add3A = arith.addi %mul3A_0, %arg0 : i32
    "tpu.region"() ({
      %run_scoped3A = tpu.sem_alloc : memref<!tpu.dma_semaphore, #tpu.memory_space<semaphore_mem>>
      %dma_start3A_41 = arith.constant 0 : i32
      %dma_start3A_42 = tpu.memref_slice %arg3[%add3A, %dma_start3A_41] : memref<32x16xi32, #tpu.memory_space<hbm>> -> memref<1x16xi32, #tpu.memory_space<hbm>>
      %dma_start3A_43 = tpu.memref_squeeze %dma_start3A_42 : memref<1x16xi32, #tpu.memory_space<hbm>> -> memref<16xi32, #tpu.memory_space<hbm>>
      %dma_start3A_44 = arith.constant 0 : i32
      %dma_start3A_45 = tpu.memref_slice %arg3[%add3A, %dma_start3A_44] : memref<32x16xi32, #tpu.memory_space<hbm>> -> memref<1x16xi32, #tpu.memory_space<hbm>>
      %dma_start3A_46 = tpu.memref_squeeze %dma_start3A_45 : memref<1x16xi32, #tpu.memory_space<hbm>> -> memref<16xi32, #tpu.memory_space<hbm>>
      tpu.enqueue_dma source(%dma_start3A_46 : memref<16xi32, #tpu.memory_space<hbm>>) target(%arg5 : memref<16xi32, #tpu.memory_space<vmem>>) target_semaphore(%run_scoped3A : memref<!tpu.dma_semaphore, #tpu.memory_space<semaphore_mem>>)
      %dma_wait3A = arith.constant 0 : i32
      %dma_wait3A_47 = tpu.memref_slice %arg3[%add3A, %dma_wait3A] : memref<32x16xi32, #tpu.memory_space<hbm>> -> memref<1x16xi32, #tpu.memory_space<hbm>>
      %dma_wait3A_48 = tpu.memref_squeeze %dma_wait3A_47 : memref<1x16xi32, #tpu.memory_space<hbm>> -> memref<16xi32, #tpu.memory_space<hbm>>
      %dma_wait3A_49 = arith.constant 0 : i32
      %dma_wait3A_50 = tpu.memref_slice %arg3[%add3A, %dma_wait3A_49] : memref<32x16xi32, #tpu.memory_space<hbm>> -> memref<1x16xi32, #tpu.memory_space<hbm>>
      %dma_wait3A_51 = tpu.memref_squeeze %dma_wait3A_50 : memref<1x16xi32, #tpu.memory_space<hbm>> -> memref<16xi32, #tpu.memory_space<hbm>>
      tpu.wait_dma2 semaphore(%run_scoped3A : memref<!tpu.dma_semaphore, #tpu.memory_space<semaphore_mem>>) src(%dma_wait3A_51 : memref<16xi32, #tpu.memory_space<hbm>>) dst(%arg5 : memref<16xi32, #tpu.memory_space<vmem>>)
      tpu.yield
    }) : () -> ()
    %get3A = arith.constant 0 : index
    %get3A_1 = tpu.vector_load %arg5[%get3A] {strides = array<i32>} : memref<16xi32, #tpu.memory_space<vmem>>, vector<16xi32>,
    %slice3A = vector.extract_strided_slice %get3A_1 {offsets = [0], sizes = [1], strides = [1]} : vector<16xi32> to vector<1xi32>
    %squeeze3A = vector.extract %slice3A[0] : i32 from vector<1xi32>
    %iota3A = tpu.iota {dimensions = array<i32: 0>} : vector<16xi32>
    %ge3A = vector.broadcast %squeeze3A : i32 to vector<16xi32>
    %ge3A_2 = arith.cmpi sge, %iota3A, %ge3A : vector<16xi32>
    %sub3A = vector.broadcast %squeeze3A : i32 to vector<16xi32>
    %sub3A_3 = arith.subi %iota3A, %sub3A : vector<16xi32>
    %select_n3A = arith.select %ge3A_2, %sub3A_3, %iota3A : vector<16xi1>, vector<16xi32>
    %sub3A_4 = vector.broadcast %squeeze3A : i32 to vector<16xi32>
    %sub3A_5 = arith.subi %iota3A, %sub3A_4 : vector<16xi32>
    %min3A = arith.constant 16383 : i32
    %min3A_6 = vector.broadcast %min3A : i32 to vector<16xi32>
    %min3A_7 = arith.minsi %sub3A_5, %min3A_6 : vector<16xi32>
    %gt3A = arith.constant 0 : i32
    %gt3A_8 = arith.cmpi sgt, %squeeze3A, %gt3A : i32
    %lt3A = arith.constant 0 : i32
    %lt3A_9 = arith.cmpi slt, %squeeze3A, %lt3A : i32
    %select_n3A_10 = arith.select %lt3A_9, %min3A_7, %iota3A : vector<16xi32>
    %select_n3A_11 = arith.select %gt3A_8, %select_n3A, %select_n3A_10 : vector<16xi32>
    %add3A_12 = arith.constant 16368 : i32
    %add3A_13 = vector.broadcast %add3A_12 : i32 to vector<16xi32>
    %add3A_14 = arith.addi %iota3A, %add3A_13 : vector<16xi32>
    %ge3A_15 = vector.broadcast %squeeze3A : i32 to vector<16xi32>
    %ge3A_16 = arith.cmpi sge, %add3A_14, %ge3A_15 : vector<16xi32>
    %sub3A_17 = vector.broadcast %squeeze3A : i32 to vector<16xi32>
    %sub3A_18 = arith.subi %add3A_14, %sub3A_17 : vector<16xi32>
    %select_n3A_19 = arith.select %ge3A_16, %sub3A_18, %add3A_14 : vector<16xi1>, vector<16xi32>
    %sub3A_20 = vector.broadcast %squeeze3A : i32 to vector<16xi32>
    %sub3A_21 = arith.subi %add3A_14, %sub3A_20 : vector<16xi32>
    %min3A_22 = arith.constant 16383 : i32
    %min3A_23 = vector.broadcast %min3A_22 : i32 to vector<16xi32>
    %min3A_24 = arith.minsi %sub3A_21, %min3A_23 : vector<16xi32>
    %gt3A_25 = arith.constant 0 : i32
    %gt3A_26 = arith.cmpi sgt, %squeeze3A, %gt3A_25 : i32
    %lt3A_27 = arith.constant 0 : i32
    %lt3A_28 = arith.cmpi slt, %squeeze3A, %lt3A_27 : i32
    %select_n3A_29 = arith.select %lt3A_28, %min3A_24, %add3A_14 : vector<16xi32>
    %select_n3A_30 = arith.select %gt3A_26, %select_n3A_19, %select_n3A_29 : vector<16xi32>
    %dma_start3A = arith.constant 0 : i32
    %dma_start3A_31 = arith.constant 0 : i32
    %dma_start3A_32 = tpu.memref_slice %arg2[%add3A, %dma_start3A, %dma_start3A_31] : memref<32x128x16384xf32, #tpu.memory_space<hbm>> -> memref<1x1x16384xf32, #tpu.memory_space<hbm>>
    %dma_start3A_33 = tpu.memref_squeeze %dma_start3A_32 : memref<1x1x16384xf32, #tpu.memory_space<hbm>> -> memref<16384xf32, #tpu.memory_space<hbm>>
    %dma_start3A_34 = arith.constant 0 : i32
    %dma_start3A_35 = tpu.memref_slice %arg2[%add3A, %dma_start3A, %dma_start3A_34] : memref<32x128x16384xf32, #tpu.memory_space<hbm>> -> memref<1x1x16384xf32, #tpu.memory_space<hbm>>
    %dma_start3A_36 = tpu.memref_squeeze %dma_start3A_35 : memref<1x1x16384xf32, #tpu.memory_space<hbm>> -> memref<16384xf32, #tpu.memory_space<hbm>>
    tpu.enqueue_dma source(%dma_start3A_36 : memref<16384xf32, #tpu.memory_space<hbm>>) target(%arg6 : memref<16384xf32, #tpu.memory_space<vmem>>) target_semaphore(%arg12 : memref<!tpu.dma_semaphore, #tpu.memory_space<semaphore_mem>>)
    %scan3A = arith.constant 0 : i32
    %scan3A_37 = arith.constant 32 : i32
    %scan3A_38 = arith.addi %scan3A, %scan3A_37 : i32
    %scan3A_39 = arith.constant 1 : i32
    scf.for %scan3A_41 = %scan3A to %scan3A_38 step %scan3A_39  : i32 {
      %mul3A_42 = arith.constant 4 : i32
      %mul3A_43 = arith.muli %scan3A_41, %mul3A_42 : i32
      %add3A_44 = arith.constant 0 : i32
      %add3A_45 = arith.addi %add3A_44, %mul3A_43 : i32
      %add3A_46 = arith.constant 0 : i32
      %add3A_47 = arith.addi %add3A_45, %add3A_46 : i32
      %add3A_48 = arith.constant 1 : i32
      %add3A_49 = arith.addi %add3A_47, %add3A_48 : i32
      %lt3A_50 = arith.constant 128 : i32
      %lt3A_51 = arith.cmpi slt, %add3A_49, %lt3A_50 : i32
      %convert_element_type3A = arith.extui %lt3A_51 : i1 to i32
      %cond3A = arith.constant 0 : i32
      %cond3A_52 = arith.cmpi ne, %convert_element_type3A, %cond3A : i32
      scf.if %cond3A_52 {
        %add3A_136 = arith.constant 1 : i32
        %add3A_137 = arith.addi %add3A_47, %add3A_136 : i32
        %dma_start3A_138 = arith.constant 0 : i32
        %dma_start3A_139 = tpu.memref_slice %arg2[%add3A, %add3A_137, %dma_start3A_138] : memref<32x128x16384xf32, #tpu.memory_space<hbm>> -> memref<1x1x16384xf32, #tpu.memory_space<hbm>>
        %dma_start3A_140 = tpu.memref_squeeze %dma_start3A_139 : memref<1x1x16384xf32, #tpu.memory_space<hbm>> -> memref<16384xf32, #tpu.memory_space<hbm>>
        %dma_start3A_141 = arith.constant 0 : i32
        %dma_start3A_142 = tpu.memref_slice %arg2[%add3A, %add3A_137, %dma_start3A_141] : memref<32x128x16384xf32, #tpu.memory_space<hbm>> -> memref<1x1x16384xf32, #tpu.memory_space<hbm>>
        %dma_start3A_143 = tpu.memref_squeeze %dma_start3A_142 : memref<1x1x16384xf32, #tpu.memory_space<hbm>> -> memref<16384xf32, #tpu.memory_space<hbm>>
        tpu.enqueue_dma source(%dma_start3A_143 : memref<16384xf32, #tpu.memory_space<hbm>>) target(%arg7 : memref<16384xf32, #tpu.memory_space<vmem>>) target_semaphore(%arg13 : memref<!tpu.dma_semaphore, #tpu.memory_space<semaphore_mem>>)
      } else {
      }
      %dma_wait3A = arith.constant 0 : i32
      %dma_wait3A_53 = tpu.memref_slice %arg2[%add3A, %add3A_47, %dma_wait3A] : memref<32x128x16384xf32, #tpu.memory_space<hbm>> -> memref<1x1x16384xf32, #tpu.memory_space<hbm>>
      %dma_wait3A_54 = tpu.memref_squeeze %dma_wait3A_53 : memref<1x1x16384xf32, #tpu.memory_space<hbm>> -> memref<16384xf32, #tpu.memory_space<hbm>>
      %dma_wait3A_55 = arith.constant 0 : i32
      %dma_wait3A_56 = tpu.memref_slice %arg2[%add3A, %add3A_47, %dma_wait3A_55] : memref<32x128x16384xf32, #tpu.memory_space<hbm>> -> memref<1x1x16384xf32, #tpu.memory_space<hbm>>
      %dma_wait3A_57 = tpu.memref_squeeze %dma_wait3A_56 : memref<1x1x16384xf32, #tpu.memory_space<hbm>> -> memref<16384xf32, #tpu.memory_space<hbm>>
      tpu.wait_dma2 semaphore(%arg12 : memref<!tpu.dma_semaphore, #tpu.memory_space<semaphore_mem>>) src(%dma_wait3A_57 : memref<16384xf32, #tpu.memory_space<hbm>>) dst(%arg6 : memref<16384xf32, #tpu.memory_space<vmem>>)
      %gather3A = tpu.vector_load_idx %arg6[%select_n3A_11] : memref<16384xf32, #tpu.memory_space<vmem>>[vector<16xi32>], vector<16xf32>,
      %swap3A = arith.constant 0 : index
      %swap3A_58 = tpu.vector_load %arg8[%swap3A] {strides = array<i32>} : memref<16384xf32, #tpu.memory_space<vmem>>, vector<16xf32>,
      tpu.vector_store %arg8[%swap3A], %gather3A {strides = array<i32>} : memref<16384xf32, #tpu.memory_space<vmem>>, vector<16xf32>,
      %gather3A_59 = tpu.vector_load_idx %arg6[%select_n3A_30] : memref<16384xf32, #tpu.memory_space<vmem>>[vector<16xi32>], vector<16xf32>,
      %swap3A_60 = arith.constant 16368 : index
      %swap3A_61 = tpu.vector_load %arg8[%swap3A_60] {strides = array<i32>} : memref<16384xf32, #tpu.memory_space<vmem>>, vector<16xf32>,
      tpu.vector_store %arg8[%swap3A_60], %gather3A_59 {strides = array<i32>} : memref<16384xf32, #tpu.memory_space<vmem>>, vector<16xf32>,
      %parallel_loop3A = arith.constant 1 : i32
      %parallel_loop3A_62 = arith.constant 1023 : i32
      %parallel_loop3A_63 = arith.constant 1 : i32
      scf.for %parallel_loop3A_136 = %parallel_loop3A to %parallel_loop3A_62 step %parallel_loop3A_63  : i32 {
        %parallel_loop3A_137 = arith.constant 16 : i32
        %parallel_loop3A_138 = arith.muli %parallel_loop3A_136, %parallel_loop3A_137 : i32
        %parallel_loop3A_139 = arith.subi %parallel_loop3A_138, %squeeze3A : i32
        %parallel_loop3A_140 = arith.index_cast %parallel_loop3A_139 : i32 to index
        %parallel_loop3A_141 = tpu.vector_load %arg6[%parallel_loop3A_140] {strides = array<i32>} : memref<16384xf32, #tpu.memory_space<vmem>>, vector<16xf32>,
        %parallel_loop3A_142 = arith.constant 16 : i32
        %parallel_loop3A_143 = arith.muli %parallel_loop3A_136, %parallel_loop3A_142 : i32
        %parallel_loop3A_144 = arith.index_cast %parallel_loop3A_143 : i32 to index
        %parallel_loop3A_145 = tpu.vector_load %arg8[%parallel_loop3A_144] {strides = array<i32>} : memref<16384xf32, #tpu.memory_space<vmem>>, vector<16xf32>,
        tpu.vector_store %arg8[%parallel_loop3A_144], %parallel_loop3A_141 {strides = array<i32>} : memref<16384xf32, #tpu.memory_space<vmem>>, vector<16xf32>,
      } {sc.loop_unroll_factor = 8 : i64, sc.parallel_access}
      "tpu.region"() ({
        %run_scoped3A = tpu.sem_alloc : memref<!tpu.dma_semaphore, #tpu.memory_space<semaphore_mem>>
        %dma_start3A_136 = arith.constant 0 : i32
        %dma_start3A_137 = tpu.memref_slice %arg4[%add3A, %add3A_47, %dma_start3A_136] : memref<32x128x16384xf32, #tpu.memory_space<hbm>> -> memref<1x1x16384xf32, #tpu.memory_space<hbm>>
        %dma_start3A_138 = tpu.memref_squeeze %dma_start3A_137 : memref<1x1x16384xf32, #tpu.memory_space<hbm>> -> memref<16384xf32, #tpu.memory_space<hbm>>
        %dma_start3A_139 = arith.constant 0 : i32
        %dma_start3A_140 = tpu.memref_slice %arg4[%add3A, %add3A_47, %dma_start3A_139] : memref<32x128x16384xf32, #tpu.memory_space<hbm>> -> memref<1x1x16384xf32, #tpu.memory_space<hbm>>
        %dma_start3A_141 = tpu.memref_squeeze %dma_start3A_140 : memref<1x1x16384xf32, #tpu.memory_space<hbm>> -> memref<16384xf32, #tpu.memory_space<hbm>>
        tpu.enqueue_dma source(%arg8 : memref<16384xf32, #tpu.memory_space<vmem>>) target(%dma_start3A_141 : memref<16384xf32, #tpu.memory_space<hbm>>) target_semaphore(%run_scoped3A : memref<!tpu.dma_semaphore, #tpu.memory_space<semaphore_mem>>)
        %dma_wait3A_142 = arith.constant 0 : i32
        %dma_wait3A_143 = tpu.memref_slice %arg4[%add3A, %add3A_47, %dma_wait3A_142] : memref<32x128x16384xf32, #tpu.memory_space<hbm>> -> memref<1x1x16384xf32, #tpu.memory_space<hbm>>
        %dma_wait3A_144 = tpu.memref_squeeze %dma_wait3A_143 : memref<1x1x16384xf32, #tpu.memory_space<hbm>> -> memref<16384xf32, #tpu.memory_space<hbm>>
        %dma_wait3A_145 = arith.constant 0 : i32
        %dma_wait3A_146 = tpu.memref_slice %arg4[%add3A, %add3A_47, %dma_wait3A_145] : memref<32x128x16384xf32, #tpu.memory_space<hbm>> -> memref<1x1x16384xf32, #tpu.memory_space<hbm>>
        %dma_wait3A_147 = tpu.memref_squeeze %dma_wait3A_146 : memref<1x1x16384xf32, #tpu.memory_space<hbm>> -> memref<16384xf32, #tpu.memory_space<hbm>>
        tpu.wait_dma2 semaphore(%run_scoped3A : memref<!tpu.dma_semaphore, #tpu.memory_space<semaphore_mem>>) src(%arg8 : memref<16384xf32, #tpu.memory_space<vmem>>) dst(%dma_wait3A_147 : memref<16384xf32, #tpu.memory_space<hbm>>)
        tpu.yield
      }) : () -> ()
      %add3A_64 = arith.constant 1 : i32
      %add3A_65 = arith.addi %add3A_45, %add3A_64 : i32
      %add3A_66 = arith.constant 1 : i32
      %add3A_67 = arith.addi %add3A_65, %add3A_66 : i32
      %lt3A_68 = arith.constant 128 : i32
      %lt3A_69 = arith.cmpi slt, %add3A_67, %lt3A_68 : i32
      %convert_element_type3A_70 = arith.extui %lt3A_69 : i1 to i32
      %cond3A_71 = arith.constant 0 : i32
      %cond3A_72 = arith.cmpi ne, %convert_element_type3A_70, %cond3A_71 : i32
      scf.if %cond3A_72 {
        %add3A_136 = arith.constant 1 : i32
        %add3A_137 = arith.addi %add3A_65, %add3A_136 : i32
        %dma_start3A_138 = arith.constant 0 : i32
        %dma_start3A_139 = tpu.memref_slice %arg2[%add3A, %add3A_137, %dma_start3A_138] : memref<32x128x16384xf32, #tpu.memory_space<hbm>> -> memref<1x1x16384xf32, #tpu.memory_space<hbm>>
        %dma_start3A_140 = tpu.memref_squeeze %dma_start3A_139 : memref<1x1x16384xf32, #tpu.memory_space<hbm>> -> memref<16384xf32, #tpu.memory_space<hbm>>
        %dma_start3A_141 = arith.constant 0 : i32
        %dma_start3A_142 = tpu.memref_slice %arg2[%add3A, %add3A_137, %dma_start3A_141] : memref<32x128x16384xf32, #tpu.memory_space<hbm>> -> memref<1x1x16384xf32, #tpu.memory_space<hbm>>
        %dma_start3A_143 = tpu.memref_squeeze %dma_start3A_142 : memref<1x1x16384xf32, #tpu.memory_space<hbm>> -> memref<16384xf32, #tpu.memory_space<hbm>>
        tpu.enqueue_dma source(%dma_start3A_143 : memref<16384xf32, #tpu.memory_space<hbm>>) target(%arg6 : memref<16384xf32, #tpu.memory_space<vmem>>) target_semaphore(%arg12 : memref<!tpu.dma_semaphore, #tpu.memory_space<semaphore_mem>>)
      } else {
      }
      %dma_wait3A_73 = arith.constant 0 : i32
      %dma_wait3A_74 = tpu.memref_slice %arg2[%add3A, %add3A_65, %dma_wait3A_73] : memref<32x128x16384xf32, #tpu.memory_space<hbm>> -> memref<1x1x16384xf32, #tpu.memory_space<hbm>>
      %dma_wait3A_75 = tpu.memref_squeeze %dma_wait3A_74 : memref<1x1x16384xf32, #tpu.memory_space<hbm>> -> memref<16384xf32, #tpu.memory_space<hbm>>
      %dma_wait3A_76 = arith.constant 0 : i32
      %dma_wait3A_77 = tpu.memref_slice %arg2[%add3A, %add3A_65, %dma_wait3A_76] : memref<32x128x16384xf32, #tpu.memory_space<hbm>> -> memref<1x1x16384xf32, #tpu.memory_space<hbm>>
      %dma_wait3A_78 = tpu.memref_squeeze %dma_wait3A_77 : memref<1x1x16384xf32, #tpu.memory_space<hbm>> -> memref<16384xf32, #tpu.memory_space<hbm>>
      tpu.wait_dma2 semaphore(%arg13 : memref<!tpu.dma_semaphore, #tpu.memory_space<semaphore_mem>>) src(%dma_wait3A_78 : memref<16384xf32, #tpu.memory_space<hbm>>) dst(%arg7 : memref<16384xf32, #tpu.memory_space<vmem>>)
      %gather3A_79 = tpu.vector_load_idx %arg7[%select_n3A_11] : memref<16384xf32, #tpu.memory_space<vmem>>[vector<16xi32>], vector<16xf32>,
      %swap3A_80 = arith.constant 0 : index
      %swap3A_81 = tpu.vector_load %arg9[%swap3A_80] {strides = array<i32>} : memref<16384xf32, #tpu.memory_space<vmem>>, vector<16xf32>,
      tpu.vector_store %arg9[%swap3A_80], %gather3A_79 {strides = array<i32>} : memref<16384xf32, #tpu.memory_space<vmem>>, vector<16xf32>,
      %gather3A_82 = tpu.vector_load_idx %arg7[%select_n3A_30] : memref<16384xf32, #tpu.memory_space<vmem>>[vector<16xi32>], vector<16xf32>,
      %swap3A_83 = arith.constant 16368 : index
      %swap3A_84 = tpu.vector_load %arg9[%swap3A_83] {strides = array<i32>} : memref<16384xf32, #tpu.memory_space<vmem>>, vector<16xf32>,
      tpu.vector_store %arg9[%swap3A_83], %gather3A_82 {strides = array<i32>} : memref<16384xf32, #tpu.memory_space<vmem>>, vector<16xf32>,
      %parallel_loop3A_85 = arith.constant 1 : i32
      %parallel_loop3A_86 = arith.constant 1023 : i32
      %parallel_loop3A_87 = arith.constant 1 : i32
      scf.for %parallel_loop3A_136 = %parallel_loop3A_85 to %parallel_loop3A_86 step %parallel_loop3A_87  : i32 {
        %parallel_loop3A_137 = arith.constant 16 : i32
        %parallel_loop3A_138 = arith.muli %parallel_loop3A_136, %parallel_loop3A_137 : i32
        %parallel_loop3A_139 = arith.subi %parallel_loop3A_138, %squeeze3A : i32
        %parallel_loop3A_140 = arith.index_cast %parallel_loop3A_139 : i32 to index
        %parallel_loop3A_141 = tpu.vector_load %arg7[%parallel_loop3A_140] {strides = array<i32>} : memref<16384xf32, #tpu.memory_space<vmem>>, vector<16xf32>,
        %parallel_loop3A_142 = arith.constant 16 : i32
        %parallel_loop3A_143 = arith.muli %parallel_loop3A_136, %parallel_loop3A_142 : i32
        %parallel_loop3A_144 = arith.index_cast %parallel_loop3A_143 : i32 to index
        %parallel_loop3A_145 = tpu.vector_load %arg9[%parallel_loop3A_144] {strides = array<i32>} : memref<16384xf32, #tpu.memory_space<vmem>>, vector<16xf32>,
        tpu.vector_store %arg9[%parallel_loop3A_144], %parallel_loop3A_141 {strides = array<i32>} : memref<16384xf32, #tpu.memory_space<vmem>>, vector<16xf32>,
      } {sc.loop_unroll_factor = 8 : i64, sc.parallel_access}
      "tpu.region"() ({
        %run_scoped3A = tpu.sem_alloc : memref<!tpu.dma_semaphore, #tpu.memory_space<semaphore_mem>>
        %dma_start3A_136 = arith.constant 0 : i32
        %dma_start3A_137 = tpu.memref_slice %arg4[%add3A, %add3A_65, %dma_start3A_136] : memref<32x128x16384xf32, #tpu.memory_space<hbm>> -> memref<1x1x16384xf32, #tpu.memory_space<hbm>>
        %dma_start3A_138 = tpu.memref_squeeze %dma_start3A_137 : memref<1x1x16384xf32, #tpu.memory_space<hbm>> -> memref<16384xf32, #tpu.memory_space<hbm>>
        %dma_start3A_139 = arith.constant 0 : i32
        %dma_start3A_140 = tpu.memref_slice %arg4[%add3A, %add3A_65, %dma_start3A_139] : memref<32x128x16384xf32, #tpu.memory_space<hbm>> -> memref<1x1x16384xf32, #tpu.memory_space<hbm>>
        %dma_start3A_141 = tpu.memref_squeeze %dma_start3A_140 : memref<1x1x16384xf32, #tpu.memory_space<hbm>> -> memref<16384xf32, #tpu.memory_space<hbm>>
        tpu.enqueue_dma source(%arg9 : memref<16384xf32, #tpu.memory_space<vmem>>) target(%dma_start3A_141 : memref<16384xf32, #tpu.memory_space<hbm>>) target_semaphore(%run_scoped3A : memref<!tpu.dma_semaphore, #tpu.memory_space<semaphore_mem>>)
        %dma_wait3A_142 = arith.constant 0 : i32
        %dma_wait3A_143 = tpu.memref_slice %arg4[%add3A, %add3A_65, %dma_wait3A_142] : memref<32x128x16384xf32, #tpu.memory_space<hbm>> -> memref<1x1x16384xf32, #tpu.memory_space<hbm>>
        %dma_wait3A_144 = tpu.memref_squeeze %dma_wait3A_143 : memref<1x1x16384xf32, #tpu.memory_space<hbm>> -> memref<16384xf32, #tpu.memory_space<hbm>>
        %dma_wait3A_145 = arith.constant 0 : i32
        %dma_wait3A_146 = tpu.memref_slice %arg4[%add3A, %add3A_65, %dma_wait3A_145] : memref<32x128x16384xf32, #tpu.memory_space<hbm>> -> memref<1x1x16384xf32, #tpu.memory_space<hbm>>
        %dma_wait3A_147 = tpu.memref_squeeze %dma_wait3A_146 : memref<1x1x16384xf32, #tpu.memory_space<hbm>> -> memref<16384xf32, #tpu.memory_space<hbm>>
        tpu.wait_dma2 semaphore(%run_scoped3A : memref<!tpu.dma_semaphore, #tpu.memory_space<semaphore_mem>>) src(%arg9 : memref<16384xf32, #tpu.memory_space<vmem>>) dst(%dma_wait3A_147 : memref<16384xf32, #tpu.memory_space<hbm>>)
        tpu.yield
      }) : () -> ()
      %add3A_88 = arith.constant 2 : i32
      %add3A_89 = arith.addi %add3A_45, %add3A_88 : i32
      %add3A_90 = arith.constant 1 : i32
      %add3A_91 = arith.addi %add3A_89, %add3A_90 : i32
      %lt3A_92 = arith.constant 128 : i32
      %lt3A_93 = arith.cmpi slt, %add3A_91, %lt3A_92 : i32
      %convert_element_type3A_94 = arith.extui %lt3A_93 : i1 to i32
      %cond3A_95 = arith.constant 0 : i32
      %cond3A_96 = arith.cmpi ne, %convert_element_type3A_94, %cond3A_95 : i32
      scf.if %cond3A_96 {
        %add3A_136 = arith.constant 1 : i32
        %add3A_137 = arith.addi %add3A_89, %add3A_136 : i32
        %dma_start3A_138 = arith.constant 0 : i32
        %dma_start3A_139 = tpu.memref_slice %arg2[%add3A, %add3A_137, %dma_start3A_138] : memref<32x128x16384xf32, #tpu.memory_space<hbm>> -> memref<1x1x16384xf32, #tpu.memory_space<hbm>>
        %dma_start3A_140 = tpu.memref_squeeze %dma_start3A_139 : memref<1x1x16384xf32, #tpu.memory_space<hbm>> -> memref<16384xf32, #tpu.memory_space<hbm>>
        %dma_start3A_141 = arith.constant 0 : i32
        %dma_start3A_142 = tpu.memref_slice %arg2[%add3A, %add3A_137, %dma_start3A_141] : memref<32x128x16384xf32, #tpu.memory_space<hbm>> -> memref<1x1x16384xf32, #tpu.memory_space<hbm>>
        %dma_start3A_143 = tpu.memref_squeeze %dma_start3A_142 : memref<1x1x16384xf32, #tpu.memory_space<hbm>> -> memref<16384xf32, #tpu.memory_space<hbm>>
        tpu.enqueue_dma source(%dma_start3A_143 : memref<16384xf32, #tpu.memory_space<hbm>>) target(%arg7 : memref<16384xf32, #tpu.memory_space<vmem>>) target_semaphore(%arg13 : memref<!tpu.dma_semaphore, #tpu.memory_space<semaphore_mem>>)
      } else {
      }
      %dma_wait3A_97 = arith.constant 0 : i32
      %dma_wait3A_98 = tpu.memref_slice %arg2[%add3A, %add3A_89, %dma_wait3A_97] : memref<32x128x16384xf32, #tpu.memory_space<hbm>> -> memref<1x1x16384xf32, #tpu.memory_space<hbm>>
      %dma_wait3A_99 = tpu.memref_squeeze %dma_wait3A_98 : memref<1x1x16384xf32, #tpu.memory_space<hbm>> -> memref<16384xf32, #tpu.memory_space<hbm>>
      %dma_wait3A_100 = arith.constant 0 : i32
      %dma_wait3A_101 = tpu.memref_slice %arg2[%add3A, %add3A_89, %dma_wait3A_100] : memref<32x128x16384xf32, #tpu.memory_space<hbm>> -> memref<1x1x16384xf32, #tpu.memory_space<hbm>>
      %dma_wait3A_102 = tpu.memref_squeeze %dma_wait3A_101 : memref<1x1x16384xf32, #tpu.memory_space<hbm>> -> memref<16384xf32, #tpu.memory_space<hbm>>
      tpu.wait_dma2 semaphore(%arg12 : memref<!tpu.dma_semaphore, #tpu.memory_space<semaphore_mem>>) src(%dma_wait3A_102 : memref<16384xf32, #tpu.memory_space<hbm>>) dst(%arg6 : memref<16384xf32, #tpu.memory_space<vmem>>)
      %gather3A_103 = tpu.vector_load_idx %arg6[%select_n3A_11] : memref<16384xf32, #tpu.memory_space<vmem>>[vector<16xi32>], vector<16xf32>,
      %swap3A_104 = arith.constant 0 : index
      %swap3A_105 = tpu.vector_load %arg10[%swap3A_104] {strides = array<i32>} : memref<16384xf32, #tpu.memory_space<vmem>>, vector<16xf32>,
      tpu.vector_store %arg10[%swap3A_104], %gather3A_103 {strides = array<i32>} : memref<16384xf32, #tpu.memory_space<vmem>>, vector<16xf32>,
      %gather3A_106 = tpu.vector_load_idx %arg6[%select_n3A_30] : memref<16384xf32, #tpu.memory_space<vmem>>[vector<16xi32>], vector<16xf32>,
      %swap3A_107 = arith.constant 16368 : index
      %swap3A_108 = tpu.vector_load %arg10[%swap3A_107] {strides = array<i32>} : memref<16384xf32, #tpu.memory_space<vmem>>, vector<16xf32>,
      tpu.vector_store %arg10[%swap3A_107], %gather3A_106 {strides = array<i32>} : memref<16384xf32, #tpu.memory_space<vmem>>, vector<16xf32>,
      %parallel_loop3A_109 = arith.constant 1 : i32
      %parallel_loop3A_110 = arith.constant 1023 : i32
      %parallel_loop3A_111 = arith.constant 1 : i32
      scf.for %parallel_loop3A_136 = %parallel_loop3A_109 to %parallel_loop3A_110 step %parallel_loop3A_111  : i32 {
        %parallel_loop3A_137 = arith.constant 16 : i32
        %parallel_loop3A_138 = arith.muli %parallel_loop3A_136, %parallel_loop3A_137 : i32
        %parallel_loop3A_139 = arith.subi %parallel_loop3A_138, %squeeze3A : i32
        %parallel_loop3A_140 = arith.index_cast %parallel_loop3A_139 : i32 to index
        %parallel_loop3A_141 = tpu.vector_load %arg6[%parallel_loop3A_140] {strides = array<i32>} : memref<16384xf32, #tpu.memory_space<vmem>>, vector<16xf32>,
        %parallel_loop3A_142 = arith.constant 16 : i32
        %parallel_loop3A_143 = arith.muli %parallel_loop3A_136, %parallel_loop3A_142 : i32
        %parallel_loop3A_144 = arith.index_cast %parallel_loop3A_143 : i32 to index
        %parallel_loop3A_145 = tpu.vector_load %arg10[%parallel_loop3A_144] {strides = array<i32>} : memref<16384xf32, #tpu.memory_space<vmem>>, vector<16xf32>,
        tpu.vector_store %arg10[%parallel_loop3A_144], %parallel_loop3A_141 {strides = array<i32>} : memref<16384xf32, #tpu.memory_space<vmem>>, vector<16xf32>,
      } {sc.loop_unroll_factor = 8 : i64, sc.parallel_access}
      "tpu.region"() ({
        %run_scoped3A = tpu.sem_alloc : memref<!tpu.dma_semaphore, #tpu.memory_space<semaphore_mem>>
        %dma_start3A_136 = arith.constant 0 : i32
        %dma_start3A_137 = tpu.memref_slice %arg4[%add3A, %add3A_89, %dma_start3A_136] : memref<32x128x16384xf32, #tpu.memory_space<hbm>> -> memref<1x1x16384xf32, #tpu.memory_space<hbm>>
        %dma_start3A_138 = tpu.memref_squeeze %dma_start3A_137 : memref<1x1x16384xf32, #tpu.memory_space<hbm>> -> memref<16384xf32, #tpu.memory_space<hbm>>
        %dma_start3A_139 = arith.constant 0 : i32
        %dma_start3A_140 = tpu.memref_slice %arg4[%add3A, %add3A_89, %dma_start3A_139] : memref<32x128x16384xf32, #tpu.memory_space<hbm>> -> memref<1x1x16384xf32, #tpu.memory_space<hbm>>
        %dma_start3A_141 = tpu.memref_squeeze %dma_start3A_140 : memref<1x1x16384xf32, #tpu.memory_space<hbm>> -> memref<16384xf32, #tpu.memory_space<hbm>>
        tpu.enqueue_dma source(%arg10 : memref<16384xf32, #tpu.memory_space<vmem>>) target(%dma_start3A_141 : memref<16384xf32, #tpu.memory_space<hbm>>) target_semaphore(%run_scoped3A : memref<!tpu.dma_semaphore, #tpu.memory_space<semaphore_mem>>)
        %dma_wait3A_142 = arith.constant 0 : i32
        %dma_wait3A_143 = tpu.memref_slice %arg4[%add3A, %add3A_89, %dma_wait3A_142] : memref<32x128x16384xf32, #tpu.memory_space<hbm>> -> memref<1x1x16384xf32, #tpu.memory_space<hbm>>
        %dma_wait3A_144 = tpu.memref_squeeze %dma_wait3A_143 : memref<1x1x16384xf32, #tpu.memory_space<hbm>> -> memref<16384xf32, #tpu.memory_space<hbm>>
        %dma_wait3A_145 = arith.constant 0 : i32
        %dma_wait3A_146 = tpu.memref_slice %arg4[%add3A, %add3A_89, %dma_wait3A_145] : memref<32x128x16384xf32, #tpu.memory_space<hbm>> -> memref<1x1x16384xf32, #tpu.memory_space<hbm>>
        %dma_wait3A_147 = tpu.memref_squeeze %dma_wait3A_146 : memref<1x1x16384xf32, #tpu.memory_space<hbm>> -> memref<16384xf32, #tpu.memory_space<hbm>>
        tpu.wait_dma2 semaphore(%run_scoped3A : memref<!tpu.dma_semaphore, #tpu.memory_space<semaphore_mem>>) src(%arg10 : memref<16384xf32, #tpu.memory_space<vmem>>) dst(%dma_wait3A_147 : memref<16384xf32, #tpu.memory_space<hbm>>)
        tpu.yield
      }) : () -> ()
      %add3A_112 = arith.constant 3 : i32
      %add3A_113 = arith.addi %add3A_45, %add3A_112 : i32
      %add3A_114 = arith.constant 1 : i32
      %add3A_115 = arith.addi %add3A_113, %add3A_114 : i32
      %lt3A_116 = arith.constant 128 : i32
      %lt3A_117 = arith.cmpi slt, %add3A_115, %lt3A_116 : i32
      %convert_element_type3A_118 = arith.extui %lt3A_117 : i1 to i32
      %cond3A_119 = arith.constant 0 : i32
      %cond3A_120 = arith.cmpi ne, %convert_element_type3A_118, %cond3A_119 : i32
      scf.if %cond3A_120 {
        %add3A_136 = arith.constant 1 : i32
        %add3A_137 = arith.addi %add3A_113, %add3A_136 : i32
        %dma_start3A_138 = arith.constant 0 : i32
        %dma_start3A_139 = tpu.memref_slice %arg2[%add3A, %add3A_137, %dma_start3A_138] : memref<32x128x16384xf32, #tpu.memory_space<hbm>> -> memref<1x1x16384xf32, #tpu.memory_space<hbm>>
        %dma_start3A_140 = tpu.memref_squeeze %dma_start3A_139 : memref<1x1x16384xf32, #tpu.memory_space<hbm>> -> memref<16384xf32, #tpu.memory_space<hbm>>
        %dma_start3A_141 = arith.constant 0 : i32
        %dma_start3A_142 = tpu.memref_slice %arg2[%add3A, %add3A_137, %dma_start3A_141] : memref<32x128x16384xf32, #tpu.memory_space<hbm>> -> memref<1x1x16384xf32, #tpu.memory_space<hbm>>
        %dma_start3A_143 = tpu.memref_squeeze %dma_start3A_142 : memref<1x1x16384xf32, #tpu.memory_space<hbm>> -> memref<16384xf32, #tpu.memory_space<hbm>>
        tpu.enqueue_dma source(%dma_start3A_143 : memref<16384xf32, #tpu.memory_space<hbm>>) target(%arg6 : memref<16384xf32, #tpu.memory_space<vmem>>) target_semaphore(%arg12 : memref<!tpu.dma_semaphore, #tpu.memory_space<semaphore_mem>>)
      } else {
      }
      %dma_wait3A_121 = arith.constant 0 : i32
      %dma_wait3A_122 = tpu.memref_slice %arg2[%add3A, %add3A_113, %dma_wait3A_121] : memref<32x128x16384xf32, #tpu.memory_space<hbm>> -> memref<1x1x16384xf32, #tpu.memory_space<hbm>>
      %dma_wait3A_123 = tpu.memref_squeeze %dma_wait3A_122 : memref<1x1x16384xf32, #tpu.memory_space<hbm>> -> memref<16384xf32, #tpu.memory_space<hbm>>
      %dma_wait3A_124 = arith.constant 0 : i32
      %dma_wait3A_125 = tpu.memref_slice %arg2[%add3A, %add3A_113, %dma_wait3A_124] : memref<32x128x16384xf32, #tpu.memory_space<hbm>> -> memref<1x1x16384xf32, #tpu.memory_space<hbm>>
      %dma_wait3A_126 = tpu.memref_squeeze %dma_wait3A_125 : memref<1x1x16384xf32, #tpu.memory_space<hbm>> -> memref<16384xf32, #tpu.memory_space<hbm>>
      tpu.wait_dma2 semaphore(%arg13 : memref<!tpu.dma_semaphore, #tpu.memory_space<semaphore_mem>>) src(%dma_wait3A_126 : memref<16384xf32, #tpu.memory_space<hbm>>) dst(%arg7 : memref<16384xf32, #tpu.memory_space<vmem>>)
      %gather3A_127 = tpu.vector_load_idx %arg7[%select_n3A_11] : memref<16384xf32, #tpu.memory_space<vmem>>[vector<16xi32>], vector<16xf32>,
      %swap3A_128 = arith.constant 0 : index
      %swap3A_129 = tpu.vector_load %arg11[%swap3A_128] {strides = array<i32>} : memref<16384xf32, #tpu.memory_space<vmem>>, vector<16xf32>,
      tpu.vector_store %arg11[%swap3A_128], %gather3A_127 {strides = array<i32>} : memref<16384xf32, #tpu.memory_space<vmem>>, vector<16xf32>,
      %gather3A_130 = tpu.vector_load_idx %arg7[%select_n3A_30] : memref<16384xf32, #tpu.memory_space<vmem>>[vector<16xi32>], vector<16xf32>,
      %swap3A_131 = arith.constant 16368 : index
      %swap3A_132 = tpu.vector_load %arg11[%swap3A_131] {strides = array<i32>} : memref<16384xf32, #tpu.memory_space<vmem>>, vector<16xf32>,
      tpu.vector_store %arg11[%swap3A_131], %gather3A_130 {strides = array<i32>} : memref<16384xf32, #tpu.memory_space<vmem>>, vector<16xf32>,
      %parallel_loop3A_133 = arith.constant 1 : i32
      %parallel_loop3A_134 = arith.constant 1023 : i32
      %parallel_loop3A_135 = arith.constant 1 : i32
      scf.for %parallel_loop3A_136 = %parallel_loop3A_133 to %parallel_loop3A_134 step %parallel_loop3A_135  : i32 {
        %parallel_loop3A_137 = arith.constant 16 : i32
        %parallel_loop3A_138 = arith.muli %parallel_loop3A_136, %parallel_loop3A_137 : i32
        %parallel_loop3A_139 = arith.subi %parallel_loop3A_138, %squeeze3A : i32
        %parallel_loop3A_140 = arith.index_cast %parallel_loop3A_139 : i32 to index
        %parallel_loop3A_141 = tpu.vector_load %arg7[%parallel_loop3A_140] {strides = array<i32>} : memref<16384xf32, #tpu.memory_space<vmem>>, vector<16xf32>,
        %parallel_loop3A_142 = arith.constant 16 : i32
        %parallel_loop3A_143 = arith.muli %parallel_loop3A_136, %parallel_loop3A_142 : i32
        %parallel_loop3A_144 = arith.index_cast %parallel_loop3A_143 : i32 to index
        %parallel_loop3A_145 = tpu.vector_load %arg11[%parallel_loop3A_144] {strides = array<i32>} : memref<16384xf32, #tpu.memory_space<vmem>>, vector<16xf32>,
        tpu.vector_store %arg11[%parallel_loop3A_144], %parallel_loop3A_141 {strides = array<i32>} : memref<16384xf32, #tpu.memory_space<vmem>>, vector<16xf32>,
      } {sc.loop_unroll_factor = 8 : i64, sc.parallel_access}
      "tpu.region"() ({
        %run_scoped3A = tpu.sem_alloc : memref<!tpu.dma_semaphore, #tpu.memory_space<semaphore_mem>>
        %dma_start3A_136 = arith.constant 0 : i32
        %dma_start3A_137 = tpu.memref_slice %arg4[%add3A, %add3A_113, %dma_start3A_136] : memref<32x128x16384xf32, #tpu.memory_space<hbm>> -> memref<1x1x16384xf32, #tpu.memory_space<hbm>>
        %dma_start3A_138 = tpu.memref_squeeze %dma_start3A_137 : memref<1x1x16384xf32, #tpu.memory_space<hbm>> -> memref<16384xf32, #tpu.memory_space<hbm>>
        %dma_start3A_139 = arith.constant 0 : i32
        %dma_start3A_140 = tpu.memref_slice %arg4[%add3A, %add3A_113, %dma_start3A_139] : memref<32x128x16384xf32, #tpu.memory_space<hbm>> -> memref<1x1x16384xf32, #tpu.memory_space<hbm>>
        %dma_start3A_141 = tpu.memref_squeeze %dma_start3A_140 : memref<1x1x16384xf32, #tpu.memory_space<hbm>> -> memref<16384xf32, #tpu.memory_space<hbm>>
        tpu.enqueue_dma source(%arg11 : memref<16384xf32, #tpu.memory_space<vmem>>) target(%dma_start3A_141 : memref<16384xf32, #tpu.memory_space<hbm>>) target_semaphore(%run_scoped3A : memref<!tpu.dma_semaphore, #tpu.memory_space<semaphore_mem>>)
        %dma_wait3A_142 = arith.constant 0 : i32
        %dma_wait3A_143 = tpu.memref_slice %arg4[%add3A, %add3A_113, %dma_wait3A_142] : memref<32x128x16384xf32, #tpu.memory_space<hbm>> -> memref<1x1x16384xf32, #tpu.memory_space<hbm>>
        %dma_wait3A_144 = tpu.memref_squeeze %dma_wait3A_143 : memref<1x1x16384xf32, #tpu.memory_space<hbm>> -> memref<16384xf32, #tpu.memory_space<hbm>>
        %dma_wait3A_145 = arith.constant 0 : i32
        %dma_wait3A_146 = tpu.memref_slice %arg4[%add3A, %add3A_113, %dma_wait3A_145] : memref<32x128x16384xf32, #tpu.memory_space<hbm>> -> memref<1x1x16384xf32, #tpu.memory_space<hbm>>
        %dma_wait3A_147 = tpu.memref_squeeze %dma_wait3A_146 : memref<1x1x16384xf32, #tpu.memory_space<hbm>> -> memref<16384xf32, #tpu.memory_space<hbm>>
        tpu.wait_dma2 semaphore(%run_scoped3A : memref<!tpu.dma_semaphore, #tpu.memory_space<semaphore_mem>>) src(%arg11 : memref<16384xf32, #tpu.memory_space<vmem>>) dst(%dma_wait3A_147 : memref<16384xf32, #tpu.memory_space<hbm>>)
        tpu.yield
      }) : () -> ()
    }
    %scan3A_40 = arith.constant 32 : i32
    return
  }
}

</mosaic_0001>

<sc_bundles>
// kernel: kernel.3.cloned.1.call-start
scs
__scs_entry_jumppad:
0x0: {  	(pc) =	sbr.rel $0x88, $3  }
0x1: {  	(tag) =	ssettag $0x0;
	lr =	simm.s32 $0x1  }
0x2: {  	[smem:$0x3FA0] =	sst lr;
	_ =	strace $0xD0000000  }
0x3: {  	_ = 	snop  }
0x4: {  	_ = 	snop  }
0x5: {  	_ = 	snop  }
0x6: {  	_ = 	snop  }
0x7: {  	_ = 	snop  }
__scs_overlays_trampoline_lowered:
0x8: {  	[smem:$0x3FAF] =	sst s0  }
0x9: {  	[smem:$0x3FB0] =	sst s1  }
0xa: {  	[smem:$0x3FB1] =	sst s2  }
0xb: {  	[smem:$0x3FB2] =	sst s3  }
0xc: {  	[smem:$0x3FB3] =	sst s4  }
0xd: {  	[smem:$0x3FB4] =	sst s5  }
0xe: {  	[smem:$0x3FB5] =	sst s6  }
0xf: {  	[smem:$0x3FB6] =	sst s7  }
0x10: {  	[smem:$0x3FB7] =	sst s8  }
0x11: {  	[smem:$0x3FB8] =	sst s9;
	s0 =	simm.s32 @!p0 $0x0  }
0x12: {  	s1 =	sld [smem:$0x3F9E];
	s0 =	simm.s32 @p0 $0x1  }
0x13: {  	[smem:$0x3FB9] =	sst s0;
	s0 =	simm.s32 @!p1 $0x0  }
0x14: {  	s2 =	sld [smem:$0x3F9D];
	s0 =	simm.s32 @p1 $0x1  }
0x15: {  	[smem:$0x3FBA] =	sst s0;
	s0 =	simm.s32 @!p2 $0x0  }
0x16: {  	s3 =	sld [smem:$0x3FDB];
	s0 =	simm.s32 @p2 $0x1  }
0x17: {  	s4 =	simm.s32 $0x1BF5;
	[smem:$0x3FBC] =	sst s0  }
0x18: {  	s0 =	sld [smem:$0x3F9F];
	_ =	swait.ge [sflag:s4], $0x0  }
0x19: {  	s7 =	sld [smem:$0x3FA0]  }
0x1a: {  	s8 =	sadd.s32 $0xFFFFE003, lr  }
0x1b: {  	s9 =	sadd.s32 $0xFFFFFEF7, lr;
	s5 =	simm.s32 $0xFFFFFFFF;
	p2 =	slt.u32 s8, $0xFFFFF086  }
0x1c: {  	p1 =	slt.u32 s9, $0xF7A;
	s5 =	simm.s32 @!p2 $0x0  }
0x1d: {  	s5 =	simm.s32 @p1 $0x1;
	p0 =	seq.s32 s7, s2  }
0x1e: {  	s7 =	smul.u32 @!p0 $0xF7A, s2;
	p2 =	seq.s32 @!p0 s5, $0x0  }
0x1f: {  	s9 =	smul.u32 $0xF7A, s1;
	s8 =	simm.s32 @!p0 $0x1BF5;
	p2 =	por !p2, p0  }
0x20: {  	[sflag:s8] =	ssyncset.s32 @!p0 $0xFFFFF086;
	s6 =	sadd.s32 @!p0 s3, s7;
	s7 =	simm.s32 @!p0 $0x108  }
0x21: {  	s3 =	sadd.s32 s3, s9;
	s6 =	sadd.s32 @!p0 $0x88, s6;
	s7 =	simm.s32 @p2 $0x1082  }
0x22: {  	[simem:s7], [sflag:s8] =	dma.local @!p0 [hbm:s6], $0xF7A  }
0x23: {  	s9 =	sor.u32 $0xD0000000, s2;
	s6 =	simm.s32 $0x108;
	_ =	swait.ge @!p0 [sflag:s8], $0x0  }
0x24: {  	s3 =	sadd.s32 $0x88, s3;
	s6 =	simm.s32 @!p1 $0x1082;
	[sflag:s4] =	ssyncset.s32 $0xFFFFF086  }
0x25: {  	[simem:s6], [sflag:s4] =	dma.local [hbm:s3], $0xF7A  }
0x26: {  	[smem:$0x3FA0] =	sst s1;
	(tag) =	ssettag s2;
	_ =	strace s9  }
0x27: {  	s1 =	sld [smem:$0x3FB0]  }
0x28: {  	s2 =	sld [smem:$0x3FB1]  }
0x29: {  	s4 =	sld [smem:$0x3FB3]  }
0x2a: {  	p0 =	seq.s32 s5, $0x0;
	s5 =	sld [smem:$0x3FB4]  }
0x2b: {  	s6 =	sld [smem:$0x3FB5]  }
0x2c: {  	s7 =	sld [smem:$0x3FB6]  }
0x2d: {  	s3 =	simm.s32 $0x108;
	s8 =	sld [smem:$0x3FB7]  }
0x2e: {  	s3 =	simm.s32 @!p0 $0x1082;
	s9 =	sld [smem:$0x3FB8]  }
0x2f: {  	lr =	sadd.s32 s0, s3;
	s0 =	sld [smem:$0x3FAF]  }
0x30: {  	s3 =	sld [smem:$0x3FB2]  }
0x31: {  	[smem:$0x3FBB] =	sst s10  }
0x32: {  	s10 =	sld [smem:$0x3FB9];
	_ =	sdelay $0x3  }
0x33: {  	p0 =	seq.s32 s10, $0x1;
	s10 =	sld [smem:$0x3FBB];
	_ =	sdelay $0x3  }
0x34: {  	[smem:$0x3FBB] =	sst s10  }
0x35: {  	s10 =	sld [smem:$0x3FBA];
	_ =	sdelay $0x3  }
0x36: {  	p1 =	seq.s32 s10, $0x1;
	s10 =	sld [smem:$0x3FBB];
	_ =	sdelay $0x3  }
0x37: {  	[smem:$0x3FBB] =	sst s10  }
0x38: {  	s10 =	sld [smem:$0x3FBC]  }
0x39: {  	_ = 	snop;
	(pc) =	sbr.ind lr, $3  }
0x3a: {  	_ = 	snop  }
0x3b: {  	_ = 	snop  }
0x3c: {  	p2 =	seq.s32 s10, $0x1;
	s10 =	sld [smem:$0x3FBB]  }
0x3d: {  	_ =	shalt  }
0x3e: {  	_ =	shalt  }
0x3f: {  	_ =	shalt  }
0x40: {  	_ =	shalt  }
0x41: {  	_ =	shalt  }
0x42: {  	_ =	shalt  }
0x43: {  	_ =	shalt  }
0x44: {  	_ =	shalt  }
0x45: {  	_ =	shalt  }
0x46: {  	_ =	shalt  }
0x47: {  	_ =	shalt  }
0x48: {  	_ =	shalt  }
0x49: {  	_ =	shalt  }
0x4a: {  	_ =	shalt  }
0x4b: {  	_ =	shalt  }
0x4c: {  	_ =	shalt  }
0x4d: {  	_ =	shalt  }
0x4e: {  	_ =	shalt  }
0x4f: {  	_ =	shalt  }
0x50: {  	_ =	shalt  }
0x51: {  	_ =	shalt  }
0x52: {  	_ =	shalt  }
0x53: {  	_ =	shalt  }
0x54: {  	_ =	shalt  }
0x55: {  	_ =	shalt  }
0x56: {  	_ =	shalt  }
0x57: {  	_ =	shalt  }
0x58: {  	_ =	shalt  }
0x59: {  	_ =	shalt  }
0x5a: {  	_ =	shalt  }
0x5b: {  	_ =	shalt  }
0x5c: {  	_ =	shalt  }
0x5d: {  	_ =	shalt  }
0x5e: {  	_ =	shalt  }
0x5f: {  	_ =	shalt  }
0x60: {  	_ =	shalt  }
0x61: {  	_ =	shalt  }
0x62: {  	_ =	shalt  }
0x63: {  	_ =	shalt  }
0x64: {  	_ =	shalt  }
0x65: {  	_ =	shalt  }
0x66: {  	_ =	shalt  }
0x67: {  	_ =	shalt  }
0x68: {  	_ =	shalt  }
0x69: {  	_ =	shalt  }
0x6a: {  	_ =	shalt  }
0x6b: {  	_ =	shalt  }
0x6c: {  	_ =	shalt  }
0x6d: {  	_ =	shalt  }
0x6e: {  	_ =	shalt  }
0x6f: {  	_ =	shalt  }
0x70: {  	_ =	shalt  }
0x71: {  	_ =	shalt  }
0x72: {  	_ =	shalt  }
0x73: {  	_ =	shalt  }
0x74: {  	_ =	shalt  }
0x75: {  	_ =	shalt  }
0x76: {  	_ =	shalt  }
0x77: {  	_ =	shalt  }
0x78: {  	_ =	shalt  }
0x79: {  	_ =	shalt  }
0x7a: {  	_ =	shalt  }
0x7b: {  	_ =	shalt  }
0x7c: {  	_ =	shalt  }
0x7d: {  	_ =	shalt  }
0x7e: {  	_ =	shalt  }
0x7f: {  	_ =	shalt  }
0x80: {  	_ =	shalt  }
0x81: {  	_ =	shalt  }
0x82: {  	_ =	shalt  }
0x83: {  	_ =	shalt  }
0x84: {  	_ =	shalt  }
0x85: {  	_ =	shalt  }
0x86: {  	_ =	shalt  }
0x87: {  	_ =	shalt  }
.Lfunc_end0:
.L_simem_size_0:
called_computation_lowered:
.L_overlay_start_0:
0x88: {  	s2 =	sld [smem:$0x3FD9]  }
0x89: {  	s3 =	sld [smem:$0x3FFE];
	_ =	sdelay $0x1  }
0x8a: {  	s1 =	srdreg.scid  }
0x8b: {  	s0 =	sand.u32 $0x1, s1  }
0x8c: {  	s17 =	sshll.u32 s0, $0xA;
	s2 =	sadd.s32 s3, s2  }
0x8d: {  	s2 =	sadd.s32 s2, s17  }
0x8e: {  	[smem:$0x3FC7] =	sst s2  }
0x8f: {  	_ = 	snop  }
0x90: {  	s2 =	sld [smem:$0x3FC9]  }
0x91: {  	s18 =	sld [smem:$0x3FD0];
	(tm) =	ssettm $0x1  }
0x92: {  	s4 =	sld [smem:$0x3FFB];
	_ =	sdelay $0x3  }
0x93: {  	_ =	strace s4  }
0x94: {  	s4 =	sld [smem:$0x3FFC];
	_ =	sdelay $0x3  }
0x95: {  	_ =	strace s4  }
0x96: {  	s4 =	sld [smem:$0x3FFD];
	_ =	sdelay $0x3  }
0x97: {  	_ =	strace s4  }
0x98: {  	_ =	strace $0x8FFFFFFF  }
0x99: {  	s19 =	sld [smem:$0x3FDB];
	_ =	sdelay $0x1  }
0x9a: {  	s5 =	simm.s32 $_scs_section_size  }
0x9b: {  	s6 =	simm.s32 $_size__tile_overlayer_lowered;
	s7 =	simm.s32 $_tile_overlayer_lowered  }
0x9c: {  	s22 =	simm.s32 $0x1BFF;
	s21 =	sshll.u32 s7, $0x1;
	s4 =	sadd.s32 s5, s19  }
0x9d: {  	s8 =	simm.s32 $0x0;
	s20 =	sshll.u32 s6, $0x1;
	s6 =	sadd.s32 s21, s4  }
0x9e: {  	[timem:s8], [sflag:s22] =	dma.local [hbm:s6], s20  }
0x9f: {  	_ =	swait.ge [sflag:s22], s20  }
0xa0: {  	s5 =	ssub.s32 $0x0, s20;
	[sflag:s22] =	ssyncset.done $0x0  }
0xa1: {  	[sflag:s22] =	ssyncadd.s32 s5;
	_ =	sdelay $0x1  }
0xa2: {  	s23 =	simm.s32 $0x1B8B  }
0xa3: {  	_ =	swait.ge [sflag:s23], $0x1  }
0xa4: {  	[sflag:s23] =	ssyncset.done $0x0  }
0xa5: {  	s25 =	simm.s32 $0x1B8E;
	s24 =	sld [smem:$0x3FFE];
	[sflag:s23] =	ssyncadd.s32 $0xFFFFFFFF  }
0xa6: {  	s26 =	simm.s32 $execute0_lowered;
	[smem:$0x3FD2] =	sst s25  }
0xa7: {  	s6 =	sshll.u32 s26, $0x1;
	_ =	strace $0x80000046;
	[dreg:$0x1] =	wrdreg $0xFFFFFFFF  }
0xa8: {  	s28 =	simm.s32 $_size_execute0_lowered;
	s4 =	sadd.s32 s4, s6;
	[dreg:$0x0] =	wrdreg $0x0  }
0xa9: {  	s6 =	sshll.u32 s28, $0x1;
	[dreg:$0x2] =	wrdreg s4  }
0xaa: {  	[dreg:$0x3] =	wrdreg s6  }
0xab: {  	[dreg:$0x4] =	wrdreg $0xC0  }
0xac: {  	_ =	task [dreg:s8], $0x5FFFF  }
0xad: {  	[dreg:$0x1] =	wrdreg $0xFFFFFFFF  }
0xae: {  	[dreg:$0x0] =	wrdreg $0x60  }
0xaf: {  	[dreg:$0x2] =	wrdreg s2  }
0xb0: {  	[dreg:$0x3] =	wrdreg s24  }
0xb1: {  	[dreg:$0x4] =	wrdreg s18  }
0xb2: {  	[dreg:$0x5] =	wrdreg $0x9  }
0xb3: {  	_ =	task.clear_ibuf [dreg:s8], $0x6FFFF;
	_ =	strace $0x90000046  }
0xb4: {  	s29 =	simm.s32 $0x9;
	_ =	strace $0x80000048  }
0xb5: {  	_ =	swait.ge [sflag:s29], $0x1  }
0xb6: {  	[sflag:s29] =	ssyncadd.s32 $0xFFFFFFFF  }
0xb7: {  	_ =	strace $0x90000048  }
0xb8: {  	_ =	sfence  }
0xb9: {  	s30 =	sld [smem:$0x0];
	_ =	sdelay $0x2  }
0xba: {  	s31 =	sshll.u32 s1, $0xD;
	s1 =	sshrl.u32 s1, $0x2  }
0xbb: {  	s3 =	sand.u32 $0x4000, s31;
	s1 =	sadd.s32 s1, s30  }
0xbc: {  	s0 =	sor.u32 s3, s0;
	s1 =	sshll.u32 s1, $0x11  }
0xbd: {  	s0 =	sor.u32 s1, s0  }
0xbe: {  	s0 =	sadd.s32 $0x8F2B, s0  }
0xbf: {  	[sflag:s0] =	ssyncadd.remote.s32 $0x1  }
0xc0: {  	_ =	sfence.sel $0xFFFF  }
0xc1: {  	[dreg:$0x0] =	wrdreg $0xFFFFFFFF;
	(pc) =	sbr.abs _section_cstart, $3  }
0xc2: {  	[dreg:$0x1] =	wrdreg $0xFFFFFFFF  }
0xc3: {  	_ =	task.clear_ibuf [dreg:s8], $0x2FFFF;
	_ =	strace $0x9FFFFFFF  }
0xc4: {  	(tm) =	ssettm $0x7FFFFFFF  }
0xc5: {  	_ =	shalt  }
tec
execute0_lowered:
.L_overlay_start_1:
0x0: {  	(tag) =	ssettag $0x1  }
0x1: {  	s1 =	rddreg [dreg:$0x0]  }
0x2: {  	s5 =	rddreg [dreg:$0x1]  }
0x3: {  	s3 =	rddreg [dreg:$0x2]  }
0x4: {  	s0 =	rddreg [dreg:$0x3]  }
0x5: {  	s6 =	srdreg.scid;
	s2 =	stileid.u32  }
0x6: {  	s4 =	simm.s32 $0x0;
	s10 =	simm.s32 $0x400;
	s11 =	simm.s32 $0x80  }
0x7: {  	s12 =	simm.s32 $0x4080;
	s13 =	simm.s32 $0x1;
	s14 =	simm.s32 $0x8080  }
0x8: {  	s15 =	simm.s32 $0x2;
	s16 =	simm.s32 $0xC080;
	s17 =	simm.s32 $0x10080  }
0x9: {  	s18 =	simm.s32 $0x14080;
	s6 =	sand.u32 $0x1, s6;
	s7 =	sshll.u32 s2, $0x1  }
0xa: {  	s19 =	simm.s32 $0x0;
	[smem:$0x7FF] =	sst s4;
	s7 =	sor.u32 s6, s7  }
0xb: {  	s6 =	ssub.s32 $0x2, s6;
	_ =	strace $0x80000047;
	s8 =	sshll.u32 s7, $0x4  }
0xc: {  	s9 =	sshrl.u32 s6, $0x1;
	s31 =	sshll.u32 s7, $0x12;
	s5 =	sadd.s32 s8, s5  }
0xd: {  	v0 =	vlaneseq.u32;
	s30 =	ssub.s32 s6, s9;
	s6 =	sshll.u32 s7, $0x15;
	s7 =	sadd.s32 s1, s31  }
0xe: {  	v1 =	vor.u32 $0x3FF0, v0;
	s9 =	simm.s32 $0x3;
	s5 =	sadd.s32 $0xA00, s5;
	s8 =	smax.u32 s30, $0x1  }
.LBB2_1:
0xf: {  	[tilespmem:s4], [sflag:$0x3] =	stream.linear.gather [hbm4b:s5+s4], $0x80, $0x38;
	[tilespmem:$0x18080] =	vst v63  }
0x10: {  	_ =	swait.ge [sflag:s9], $0x80  }
0x11: {  	[sflag:s9] =	ssyncset.done $0x0  }
0x12: {  	[sflag:s9] =	ssyncadd.s32 $0xFFFFFF80  }
0x13: {  	v2 =	vld [tilespmem:$0x0];
	_ =	sdelay $0x4  }
0x14: {  	(v2sf) =	vpush v2, $0x0;
	_ =	sdelay $0xc  }
0x15: {  	v2 =	vbroadcast v2, $0x0;
	_ =	sdelay $0x1  }
0x16: {  	v3 =	vsub.s32 v0, v2;
	s20 =	spop (v2sf)  }
0x17: {  	vm0 =	vlt.s32 v0, v2;
	v4 =	vsub.s32 v1, v2;
	vm1 =	vlt.s32 v3, $0x3FFF;
	s21 =	sshll.u32 s20, $0x2  }
0x18: {  	v5 =	vsel vm0, v0, v3;
	vm14 =	vlt.s32 v4, $0x3FFF;
	v3 =	vnsel vm1, $0x3FFF, v3;
	p0 =	slt.s32 s20, $0x0;
	s21 =	ssub.s32 $0x0, s21  }
0x19: {  	vm15 =	vlt.s32 v1, v2;
	v6 =	vnsel vm14, $0x3FFF, v4;
	p1 =	sgt.s32 s20, $0x0;
	v2 =	vpsel p0, v3, v0;
	s21 =	sshra.s32 s21, $0x2  }
0x1a: {  	v3 =	vsel vm15, v1, v4;
	v4 =	vpsel p0, v6, v1;
	v2 =	vpsel p1, v5, v2;
	s22 =	sadd.s32 $0x4010, s21;
	s23 =	sadd.s32 $0x8010, s21  }
0x1b: {  	v3 =	vpsel p1, v3, v4;
	v4 =	vmov s22;
	v5 =	vmov s23;
	_ =	sdelay $0x1  }
0x1c: {  	[tilespmem:s11], [sflag:$0x1] =	stream.strided.gather [hbm4b:s7+s11], $0x4000, s10, s11, $0x38;
	[tilespmem:$0x18080] =	vst v63  }
0x1d: {  	s20 =	sadd.s32 $0xC0, s21;
	s21 =	sadd.s32 $0x40C0, s21;
	s22 =	simm.s32 $0x0  }
.LBB2_2:
0x1e: {  	s23 =	sshll.u32 s22, $0x9;
	s24 =	sshll.u32 s22, $0x10  }
0x1f: {  	s23 =	sand.u32 $0x200, s23;
	s24 =	sand.u32 $0x1E0000, s24  }
0x20: {  	s23 =	sor.u32 s24, s23  }
0x21: {  	s23 =	sor.u32 s6, s23  }
0x22: {  	s23 =	sshrl.u32 s23, $0x3  }
0x23: {  	s25 =	sor.u32 $0x10, s23  }
0x24: {  	s31 =	sadd.s32 s1, s25  }
0x25: {  	[tilespmem:s12], [sflag:$0x2] =	stream.strided.gather [hbm4b:s31+s11], $0x4000, s10, s11, $0x38;
	[tilespmem:$0x18080] =	vst v63  }
0x26: {  	_ =	swait.ge [sflag:s13], $0x4000  }
0x27: {  	[sflag:s13] =	ssyncset.done $0x0  }
0x28: {  	[sflag:s13] =	ssyncadd.s32 $0xFFFFC000  }
0x29: {  	v6 =	vld.idx.msk [tilespmem:v2+s11+$0x0], $0xffff;
	_ =	sdelay $0x4  }
0x2a: {  	[tilespmem:$0x8080] =	vst v6  }
0x2b: {  	v6 =	vld.idx.msk [tilespmem:v3+s11+$0x0], $0xffff;
	_ =	sdelay $0x4  }
0x2c: {  	[tilespmem:$0xC070] =	vst v6  }
0x2d: {  	v9 =	vld [tilespmem:s20+$0x40]  }
0x2e: {  	v10 =	vld [tilespmem:s20+$0xFFFFFFE0]  }
0x2f: {  	v11 =	vld [tilespmem:s20+$0xFFFFFFF0]  }
0x30: {  	v6 =	vld [tilespmem:s20+$0x0]  }
0x31: {  	s24 =	simm.s32 $0x80C0;
	v7 =	vld [tilespmem:s20+$0x10]  }
0x32: {  	v8 =	vld [tilespmem:s20+$0x20];
	[tilespmem:s24+$0x40] =	vst v9  }
0x33: {  	[tilespmem:s24+$0xFFFFFFE0] =	vst v10;
	v9 =	vld [tilespmem:s20+$0x30]  }
0x34: {  	s26 =	simm.s32 $0x1;
	s28 =	sadd.s32 $0x80, s20;
	v10 =	vld [tilespmem:s20+$0xFFFFFFD0];
	[tilespmem:s24+$0xFFFFFFF0] =	vst v11  }
.LBB2_3:
0x35: {  	v11 =	vld [tilespmem:s28+$0x40];
	s26 =	sadd.s32 $0x8, s26;
	[tilespmem:s24+$0x0] =	vst v6  }
0x36: {  	v12 =	vld [tilespmem:s28+$0xFFFFFFE0];
	p0 =	slt.u32 s26, $0x3F1;
	[tilespmem:s24+$0x10] =	vst v7  }
0x37: {  	v13 =	vld [tilespmem:s28+$0xFFFFFFF0];
	[tilespmem:s24+$0x20] =	vst v8  }
.Ltmp0:
0x38: {  	v6 =	vld [tilespmem:s28+$0x0];
	[tilespmem:s24+$0x30] =	vst v9;
	(pc) =	sbr.rel @p0 .LBB2_3-.Ltmp0, $4  }
0x39: {  	v7 =	vld [tilespmem:s28+$0x10];
	[tilespmem:s24+$0xFFFFFFD0] =	vst v10;
	s24 =	sadd.s32 $0x80, s24  }
0x3a: {  	s29 =	simm.s32 $0x0;
	v8 =	vld [tilespmem:s28+$0x20];
	[tilespmem:s24+$0x40] =	vst v11  }
0x3b: {  	[tilespmem:s24+$0xFFFFFFE0] =	vst v12;
	v9 =	vld [tilespmem:s28+$0x30]  }
0x3c: {  	v10 =	vld [tilespmem:s28+$0xFFFFFFD0];
	[tilespmem:s24+$0xFFFFFFF0] =	vst v13;
	s28 =	sadd.s32 $0x80, s28  }
0x3d: {  	[tilespmem:s24+$0x0] =	vst v6  }
0x3e: {  	[tilespmem:s24+$0x10] =	vst v7  }
0x3f: {  	[tilespmem:s24+$0x20] =	vst v8  }
0x40: {  	[tilespmem:s24+$0x30] =	vst v9  }
0x41: {  	[tilespmem:s24+$0xFFFFFFD0] =	vst v10  }
.LBB2_5:
0x42: {  	s24 =	sshra.s32 s29, $0x2  }
0x43: {  	p0 =	sne.s32 s29, $0x140;
	v6 =	vld.idx.msk [tilespmem:v4+s24+$0x0 ss:$0x1], $0xffff  }
.Ltmp1:
0x44: {  	_ = 	snop;
	(pc) =	sbr.rel @p0 .LBB2_5-.Ltmp1, $2  }
0x45: {  	_ =	sdelay $0x2  }
0x46: {  	s29 =	sadd.s32 $0x40, s29;
	[tilespmem:s24+$0xC010] =	vst v6  }
0x47: {  	s24 =	sadd.s32 s3, s23  }
0x48: {  	[hbm4b:s24+s11] =	stream.strided.scatter [tilespmem:s14], [sflag:$0x3], $0x4000, s10, s11, $0x38;
	[tilespmem:$0x18080] =	vst v63  }
0x49: {  	_ =	swait.ge [sflag:s9], $0x4000  }
0x4a: {  	s24 =	sor.u32 $0x20, s23;
	[sflag:s9] =	ssyncset.done $0x0  }
0x4b: {  	s26 =	sadd.s32 s1, s24;
	[sflag:s9] =	ssyncadd.s32 $0xFFFFC000  }
0x4c: {  	[tilespmem:s11], [sflag:$0x1] =	stream.strided.gather [hbm4b:s26+s11], $0x4000, s10, s11, $0x38;
	[tilespmem:$0x18080] =	vst v63  }
0x4d: {  	_ =	swait.ge [sflag:s15], $0x4000  }
0x4e: {  	[sflag:s15] =	ssyncset.done $0x0  }
0x4f: {  	[sflag:s15] =	ssyncadd.s32 $0xFFFFC000  }
0x50: {  	v6 =	vld.idx.msk [tilespmem:v2+s12+$0x0], $0xffff;
	_ =	sdelay $0x4  }
0x51: {  	[tilespmem:$0xC080] =	vst v6  }
0x52: {  	v6 =	vld.idx.msk [tilespmem:v3+s12+$0x0], $0xffff;
	_ =	sdelay $0x4  }
0x53: {  	[tilespmem:$0x10070] =	vst v6  }
0x54: {  	v9 =	vld [tilespmem:s21+$0x40]  }
0x55: {  	v10 =	vld [tilespmem:s21+$0xFFFFFFE0]  }
0x56: {  	v11 =	vld [tilespmem:s21+$0xFFFFFFF0]  }
0x57: {  	v6 =	vld [tilespmem:s21+$0x0]  }
0x58: {  	s26 =	simm.s32 $0xC0C0;
	v7 =	vld [tilespmem:s21+$0x10]  }
0x59: {  	v8 =	vld [tilespmem:s21+$0x20];
	[tilespmem:s26+$0x40] =	vst v9  }
0x5a: {  	[tilespmem:s26+$0xFFFFFFE0] =	vst v10;
	v9 =	vld [tilespmem:s21+$0x30]  }
0x5b: {  	s28 =	simm.s32 $0x1;
	s29 =	sadd.s32 $0x80, s21;
	v10 =	vld [tilespmem:s21+$0xFFFFFFD0];
	[tilespmem:s26+$0xFFFFFFF0] =	vst v11  }
.LBB2_7:
0x5c: {  	v11 =	vld [tilespmem:s29+$0x40];
	s28 =	sadd.s32 $0x8, s28;
	[tilespmem:s26+$0x0] =	vst v6  }
0x5d: {  	v12 =	vld [tilespmem:s29+$0xFFFFFFE0];
	p0 =	slt.u32 s28, $0x3F1;
	[tilespmem:s26+$0x10] =	vst v7  }
0x5e: {  	v13 =	vld [tilespmem:s29+$0xFFFFFFF0];
	[tilespmem:s26+$0x20] =	vst v8  }
.Ltmp2:
0x5f: {  	v6 =	vld [tilespmem:s29+$0x0];
	[tilespmem:s26+$0x30] =	vst v9;
	(pc) =	sbr.rel @p0 .LBB2_7-.Ltmp2, $4  }
0x60: {  	v7 =	vld [tilespmem:s29+$0x10];
	[tilespmem:s26+$0xFFFFFFD0] =	vst v10;
	s26 =	sadd.s32 $0x80, s26  }
0x61: {  	s30 =	simm.s32 $0x0;
	v8 =	vld [tilespmem:s29+$0x20];
	[tilespmem:s26+$0x40] =	vst v11  }
0x62: {  	[tilespmem:s26+$0xFFFFFFE0] =	vst v12;
	v9 =	vld [tilespmem:s29+$0x30]  }
0x63: {  	v10 =	vld [tilespmem:s29+$0xFFFFFFD0];
	[tilespmem:s26+$0xFFFFFFF0] =	vst v13;
	s29 =	sadd.s32 $0x80, s29  }
0x64: {  	[tilespmem:s26+$0x0] =	vst v6  }
0x65: {  	[tilespmem:s26+$0x10] =	vst v7  }
0x66: {  	[tilespmem:s26+$0x20] =	vst v8  }
0x67: {  	[tilespmem:s26+$0x30] =	vst v9  }
0x68: {  	[tilespmem:s26+$0xFFFFFFD0] =	vst v10  }
.LBB2_9:
0x69: {  	s26 =	sshra.s32 s30, $0x2  }
0x6a: {  	p0 =	sne.s32 s30, $0x140;
	v6 =	vld.idx.msk [tilespmem:v5+s26+$0x0 ss:$0x1], $0xffff  }
.Ltmp3:
0x6b: {  	_ = 	snop;
	(pc) =	sbr.rel @p0 .LBB2_9-.Ltmp3, $2  }
0x6c: {  	_ =	sdelay $0x2  }
0x6d: {  	s30 =	sadd.s32 $0x40, s30;
	[tilespmem:s26+$0x10010] =	vst v6  }
0x6e: {  	s25 =	sadd.s32 s3, s25  }
0x6f: {  	[hbm4b:s25+s11] =	stream.strided.scatter [tilespmem:s16], [sflag:$0x3], $0x4000, s10, s11, $0x38;
	[tilespmem:$0x18080] =	vst v63  }
0x70: {  	_ =	swait.ge [sflag:s9], $0x4000  }
0x71: {  	s23 =	sor.u32 $0x30, s23;
	[sflag:s9] =	ssyncset.done $0x0  }
0x72: {  	s31 =	sadd.s32 s1, s23;
	[sflag:s9] =	ssyncadd.s32 $0xFFFFC000  }
0x73: {  	[tilespmem:s12], [sflag:$0x2] =	stream.strided.gather [hbm4b:s31+s11], $0x4000, s10, s11, $0x38;
	[tilespmem:$0x18080] =	vst v63  }
0x74: {  	_ =	swait.ge [sflag:s13], $0x4000  }
0x75: {  	[sflag:s13] =	ssyncset.done $0x0  }
0x76: {  	[sflag:s13] =	ssyncadd.s32 $0xFFFFC000  }
0x77: {  	v6 =	vld.idx.msk [tilespmem:v2+s11+$0x0], $0xffff;
	_ =	sdelay $0x4  }
0x78: {  	[tilespmem:$0x10080] =	vst v6  }
0x79: {  	v6 =	vld.idx.msk [tilespmem:v3+s11+$0x0], $0xffff;
	_ =	sdelay $0x4  }
0x7a: {  	[tilespmem:$0x14070] =	vst v6  }
0x7b: {  	v9 =	vld [tilespmem:s20+$0x40]  }
0x7c: {  	v10 =	vld [tilespmem:s20+$0xFFFFFFE0]  }
0x7d: {  	v11 =	vld [tilespmem:s20+$0xFFFFFFF0]  }
0x7e: {  	v6 =	vld [tilespmem:s20+$0x0]  }
0x7f: {  	s25 =	simm.s32 $0x100C0;
	v7 =	vld [tilespmem:s20+$0x10]  }
0x80: {  	v8 =	vld [tilespmem:s20+$0x20];
	[tilespmem:s25+$0x40] =	vst v9  }
0x81: {  	[tilespmem:s25+$0xFFFFFFE0] =	vst v10;
	v9 =	vld [tilespmem:s20+$0x30]  }
0x82: {  	s26 =	simm.s32 $0x1;
	s28 =	sadd.s32 $0x80, s20;
	v10 =	vld [tilespmem:s20+$0xFFFFFFD0];
	[tilespmem:s25+$0xFFFFFFF0] =	vst v11  }
.LBB2_11:
0x83: {  	v11 =	vld [tilespmem:s28+$0x40];
	s26 =	sadd.s32 $0x8, s26;
	[tilespmem:s25+$0x0] =	vst v6  }
0x84: {  	v12 =	vld [tilespmem:s28+$0xFFFFFFE0];
	p0 =	slt.u32 s26, $0x3F1;
	[tilespmem:s25+$0x10] =	vst v7  }
0x85: {  	v13 =	vld [tilespmem:s28+$0xFFFFFFF0];
	[tilespmem:s25+$0x20] =	vst v8  }
.Ltmp4:
0x86: {  	v6 =	vld [tilespmem:s28+$0x0];
	[tilespmem:s25+$0x30] =	vst v9;
	(pc) =	sbr.rel @p0 .LBB2_11-.Ltmp4, $4  }
0x87: {  	v7 =	vld [tilespmem:s28+$0x10];
	[tilespmem:s25+$0xFFFFFFD0] =	vst v10;
	s25 =	sadd.s32 $0x80, s25  }
0x88: {  	s29 =	simm.s32 $0x0;
	v8 =	vld [tilespmem:s28+$0x20];
	[tilespmem:s25+$0x40] =	vst v11  }
0x89: {  	[tilespmem:s25+$0xFFFFFFE0] =	vst v12;
	v9 =	vld [tilespmem:s28+$0x30]  }
0x8a: {  	v10 =	vld [tilespmem:s28+$0xFFFFFFD0];
	[tilespmem:s25+$0xFFFFFFF0] =	vst v13;
	s28 =	sadd.s32 $0x80, s28  }
0x8b: {  	[tilespmem:s25+$0x0] =	vst v6  }
0x8c: {  	[tilespmem:s25+$0x10] =	vst v7  }
0x8d: {  	[tilespmem:s25+$0x20] =	vst v8  }
0x8e: {  	[tilespmem:s25+$0x30] =	vst v9  }
0x8f: {  	[tilespmem:s25+$0xFFFFFFD0] =	vst v10  }
.LBB2_13:
0x90: {  	s25 =	sshra.s32 s29, $0x2  }
0x91: {  	p0 =	sne.s32 s29, $0x140;
	v6 =	vld.idx.msk [tilespmem:v4+s25+$0x0 ss:$0x1], $0xffff  }
.Ltmp5:
0x92: {  	_ = 	snop;
	(pc) =	sbr.rel @p0 .LBB2_13-.Ltmp5, $2  }
0x93: {  	_ =	sdelay $0x2  }
0x94: {  	s29 =	sadd.s32 $0x40, s29;
	[tilespmem:s25+$0x14010] =	vst v6  }
0x95: {  	s24 =	sadd.s32 s3, s24;
	p0 =	seq.s32 s22, $0x1F  }
0x96: {  	[hbm4b:s24+s11] =	stream.strided.scatter [tilespmem:s17], [sflag:$0x3], $0x4000, s10, s11, $0x38;
	[tilespmem:$0x18080] =	vst v63  }
0x97: {  	s24 =	sshll.u32 @!p0 s22, $0x2  }
0x98: {  	s24 =	sadd.s32 @!p0 $0x4, s24  }
0x99: {  	s25 =	sshll.u32 @!p0 s24, $0xE  }
0x9a: {  	s24 =	sshll.u32 @!p0 s24, $0x7;
	s25 =	sand.u32 @!p0 $0x3E0000, s25  }
0x9b: {  	s24 =	sand.u32 @!p0 $0x200, s24;
	s25 =	sadd.s32 @!p0 s6, s25  }
0x9c: {  	_ =	swait.ge [sflag:s9], $0x4000;
	s24 =	sor.u32 @!p0 s24, s25  }
0x9d: {  	s26 =	simm.s32 @!p0 $0x80;
	[sflag:s9] =	ssyncset.done $0x0;
	s24 =	sshrl.u32 @!p0 s24, $0x3  }
0x9e: {  	[sflag:s9] =	ssyncadd.s32 $0xFFFFC000;
	s25 =	simm.s32 @!p0 $0x400;
	s24 =	sadd.s32 @!p0 s1, s24  }
0x9f: {  	[tilespmem:s26], [sflag:$0x1] =	stream.strided.gather @!p0 [hbm4b:s24+s26], $0x4000, s25, s26, $0x38;
	[tilespmem:$0x18080] =	vst v63  }
0xa0: {  	_ =	swait.ge [sflag:s15], $0x4000  }
0xa1: {  	[sflag:s15] =	ssyncset.done $0x0  }
0xa2: {  	[sflag:s15] =	ssyncadd.s32 $0xFFFFC000  }
0xa3: {  	v6 =	vld.idx.msk [tilespmem:v2+s12+$0x0], $0xffff;
	_ =	sdelay $0x4  }
0xa4: {  	[tilespmem:$0x14080] =	vst v6  }
0xa5: {  	v6 =	vld.idx.msk [tilespmem:v3+s12+$0x0], $0xffff;
	_ =	sdelay $0x4  }
0xa6: {  	[tilespmem:$0x18070] =	vst v6  }
0xa7: {  	v9 =	vld [tilespmem:s21+$0x40]  }
0xa8: {  	v10 =	vld [tilespmem:s21+$0xFFFFFFE0]  }
0xa9: {  	v11 =	vld [tilespmem:s21+$0xFFFFFFF0]  }
0xaa: {  	v6 =	vld [tilespmem:s21+$0x0]  }
0xab: {  	s24 =	simm.s32 $0x140C0;
	v7 =	vld [tilespmem:s21+$0x10]  }
0xac: {  	v8 =	vld [tilespmem:s21+$0x20];
	[tilespmem:s24+$0x40] =	vst v9  }
0xad: {  	[tilespmem:s24+$0xFFFFFFE0] =	vst v10;
	v9 =	vld [tilespmem:s21+$0x30]  }
0xae: {  	s25 =	simm.s32 $0x1;
	s26 =	sadd.s32 $0x80, s21;
	v10 =	vld [tilespmem:s21+$0xFFFFFFD0];
	[tilespmem:s24+$0xFFFFFFF0] =	vst v11  }
.LBB2_15:
0xaf: {  	v11 =	vld [tilespmem:s26+$0x40];
	s25 =	sadd.s32 $0x8, s25;
	[tilespmem:s24+$0x0] =	vst v6  }
0xb0: {  	v12 =	vld [tilespmem:s26+$0xFFFFFFE0];
	p0 =	slt.u32 s25, $0x3F1;
	[tilespmem:s24+$0x10] =	vst v7  }
0xb1: {  	v13 =	vld [tilespmem:s26+$0xFFFFFFF0];
	[tilespmem:s24+$0x20] =	vst v8  }
.Ltmp6:
0xb2: {  	v6 =	vld [tilespmem:s26+$0x0];
	[tilespmem:s24+$0x30] =	vst v9;
	(pc) =	sbr.rel @p0 .LBB2_15-.Ltmp6, $4  }
0xb3: {  	v7 =	vld [tilespmem:s26+$0x10];
	[tilespmem:s24+$0xFFFFFFD0] =	vst v10;
	s24 =	sadd.s32 $0x80, s24  }
0xb4: {  	s28 =	simm.s32 $0x0;
	v8 =	vld [tilespmem:s26+$0x20];
	[tilespmem:s24+$0x40] =	vst v11  }
0xb5: {  	[tilespmem:s24+$0xFFFFFFE0] =	vst v12;
	v9 =	vld [tilespmem:s26+$0x30]  }
0xb6: {  	v10 =	vld [tilespmem:s26+$0xFFFFFFD0];
	[tilespmem:s24+$0xFFFFFFF0] =	vst v13;
	s26 =	sadd.s32 $0x80, s26  }
0xb7: {  	[tilespmem:s24+$0x0] =	vst v6  }
0xb8: {  	[tilespmem:s24+$0x10] =	vst v7  }
0xb9: {  	[tilespmem:s24+$0x20] =	vst v8  }
0xba: {  	[tilespmem:s24+$0x30] =	vst v9  }
0xbb: {  	[tilespmem:s24+$0xFFFFFFD0] =	vst v10  }
.LBB2_17:
0xbc: {  	s24 =	sshra.s32 s28, $0x2  }
0xbd: {  	p0 =	sne.s32 s28, $0x140;
	v6 =	vld.idx.msk [tilespmem:v5+s24+$0x0 ss:$0x1], $0xffff  }
.Ltmp7:
0xbe: {  	_ = 	snop;
	(pc) =	sbr.rel @p0 .LBB2_17-.Ltmp7, $2  }
0xbf: {  	_ =	sdelay $0x2  }
0xc0: {  	s28 =	sadd.s32 $0x40, s28;
	[tilespmem:s24+$0x18010] =	vst v6  }
0xc1: {  	s22 =	sadd.s32 $0x1, s22  }
0xc2: {  	p0 =	sne.s32 s22, $0x20  }
.Ltmp8:
0xc3: {  	s23 =	sadd.s32 s3, s23;
	(pc) =	sbr.rel @p0 .LBB2_2-.Ltmp8, $4  }
0xc4: {  	[hbm4b:s23+s11] =	stream.strided.scatter [tilespmem:s18], [sflag:$0x3], $0x4000, s10, s11, $0x38;
	[tilespmem:$0x18080] =	vst v63  }
0xc5: {  	_ =	swait.ge [sflag:s9], $0x4000  }
0xc6: {  	[sflag:s9] =	ssyncset.done $0x0  }
0xc7: {  	[sflag:s9] =	ssyncadd.s32 $0xFFFFC000  }
0xc8: {  	s19 =	sadd.s32 $0x1, s19  }
0xc9: {  	p0 =	sne.s32 s19, s8  }
.Ltmp9:
0xca: {  	_ = 	snop;
	(pc) =	sbr.rel @p0 .LBB2_1-.Ltmp9, $1  }
0xcb: {  	_ =	sdelay $0x3  }
0xcc: {  	_ =	sfence.sel $0x180000  }
0xcd: {  	[bflag:$0x0] =	sbarrier.arrive $0xFFFF  }
0xce: {  	p0 =	sne.s32 s2, $0x0;
	_ =	strace $0x90000047  }
0xcf: {  	s0 =	sadd.s32 @!p0 $0x100000, s0;
	[bflag:$0x2] =	sbarrier.arrive $0xFFFF  }
0xd0: {  	[sflag:s0] =	ssyncadd.tile.s32 @!p0 $0x1;
	_ =	shalt  }
.Lfunc_end2:
_tile_overlayer_lowered:
.L_overlay_start_2:
0xd1: {  	(tag) =	ssettag $0x2  }
0xd2: {  	s0 =	rddreg [dreg:$0x0];
	s2 =	stileid.u32  }
0xd3: {  	s1 =	rddreg [dreg:$0x1];
	p0 =	sne.s32 s2, $0x0  }
0xd4: {  	s3 =	rddreg [dreg:$0x2];
	[bflag:$0x3] =	sbarrier.arrive $0xFFFF;
	s2 =	simm.s32 @!p0 $0x1C03  }
0xd5: {  	[timem:s3], [sflag:s2] =	dma.local @!p0 [hbm:s0], s1  }
0xd6: {  	s0 =	simm.s32 @!p0 $0x3  }
0xd7: {  	_ =	swait.ge @!p0 [sflag:s0], s1  }
0xd8: {  	s1 =	ssub.s32 @!p0 $0x0, s1;
	[sflag:s0] =	ssyncset.done @!p0 $0x0  }
0xd9: {  	[sflag:s0] =	ssyncadd.s32 @!p0 s1  }
0xda: {  	[bflag:$0x3] =	sbarrier.arrive $0xFFFF  }
0xdb: {  	_ =	shalt  }

</sc_bundles>
